<compile_context>
chip_gen: v7x
topology: tpu7x:2x2x1
jax: 0.10.2.dev20260603
libtpu: 0.0.44.dev20260713+nightly
codegen_flags: <defaults>
</compile_context>

<pallas_src>
import functools

import jax
import jax.numpy as jnp
from jax import lax
from jax.experimental import pallas as pl
from jax.experimental.pallas import tpu as pltpu
from jax.experimental.pallas import tpu_sc as plsc

VOCAB = 50264
DIM = 10
DIMP = 16
B, L = 4096, 200
N_IDX = B * L


_ROW_BLK = 8192


def _project_body(tab_ref, wt_ref, b_ref, out_ref):
    x = tab_ref[...]
    wt = wt_ref[...]
    out_ref[...] = (
        jnp.dot(x, wt, preferred_element_type=jnp.float32) + b_ref[...]
    )


def _project_table(table, Wt, b2d):
    grid = (VOCAB + _ROW_BLK - 1) // _ROW_BLK
    return pl.pallas_call(
        _project_body,
        grid=(grid,),
        in_specs=[
            pl.BlockSpec((_ROW_BLK, DIM), lambda i: (i, 0)),
            pl.BlockSpec((DIM, DIMP), lambda i: (0, 0)),
            pl.BlockSpec((1, DIMP), lambda i: (0, 0)),
        ],
        out_specs=pl.BlockSpec((_ROW_BLK, DIMP), lambda i: (i, 0)),
        out_shape=jax.ShapeDtypeStruct((VOCAB, DIMP), jnp.float32),
    )(table, Wt, b2d)



_NW = 32
_PER_W = N_IDX // _NW
_SUB = 128
_ROWS_PER_W = _PER_W // _SUB
_CH = 3200
_PER_CH = _CH // _SUB
_NCHUNK = _PER_W // _CH


@functools.partial(
    pl.kernel,
    mesh=plsc.VectorSubcoreMesh(core_axis_name="c", subcore_axis_name="s"),
    out_type=jax.ShapeDtypeStruct((N_IDX, DIMP), jnp.float32),
    compiler_params=pltpu.CompilerParams(use_tc_tiling_on_sc=False),
    scratch_types=[
        pltpu.VMEM((_ROWS_PER_W, _SUB), jnp.int32),
        pltpu.VMEM((_CH, DIMP), jnp.float32),
        pltpu.SemaphoreType.DMA,
    ],
)
def _gather_rows(idx_hbm, proj_hbm, out_hbm, idx_v, rows_v, sem):
    wid = lax.axis_index("s") * 2 + lax.axis_index("c")
    pltpu.sync_copy(idx_hbm.at[pl.ds(wid * _ROWS_PER_W, _ROWS_PER_W)], idx_v)

    def chunk(j, carry):
        def fire(i, c):
            pltpu.async_copy(
                proj_hbm.at[idx_v.at[j * _PER_CH + i]],
                rows_v.at[pl.ds(i * _SUB, _SUB)],
                sem,
            )
            return c

        lax.fori_loop(0, _PER_CH, fire, 0)

        def drain(i, c):
            pltpu.make_async_copy(
                proj_hbm.at[idx_v.at[j * _PER_CH + i]],
                rows_v.at[pl.ds(i * _SUB, _SUB)],
                sem,
            ).wait()
            return c

        lax.fori_loop(0, _PER_CH, drain, 0)
        pltpu.sync_copy(rows_v, out_hbm.at[pl.ds(wid * _PER_W + j * _CH, _CH)])
        return carry

    lax.fori_loop(0, _NCHUNK, chunk, 0)




def kernel(input_ids, table, W, b):
    Wt = jnp.zeros((DIM, DIMP), jnp.float32).at[:, :DIM].set(W.T)
    b2d = jnp.zeros((1, DIMP), jnp.float32).at[:, :DIM].set(b)
    proj = _project_table(table, Wt, b2d)
    idx2d = input_ids.reshape(N_IDX // _SUB, _SUB).astype(jnp.int32)
    out_pad = _gather_rows(idx2d, proj)
    return out_pad[:, :DIM].reshape(B, L, DIM)

# --- scband reference (transcript-rebuilt; emitter-appended) ---
"""Pipeline reference for scband-my-model-61933428410292 (READ-ONLY COPY).

The authoritative reference and input builder live on the scoring server;
editing this copy changes nothing except your own understanding.
"""

import jax, jax.numpy as jnp
import numpy as np

VOCAB = 50264
DIM = 10

def setup_inputs(seed: int = 0) -> dict:
    key = jax.random.key(seed)
    k1, k2, k3, k4 = jax.random.split(key, 4)
    input_ids = jax.random.randint(k1, (4096, 200), 0, VOCAB, dtype=jnp.int64 if jax.config.jax_enable_x64 else jnp.int32)
    table = jax.random.normal(k2, (VOCAB, DIM), dtype=jnp.float32)
    W = jax.random.normal(k3, (DIM, DIM), dtype=jnp.float32) * (1.0 / np.sqrt(DIM))
    b = jax.random.normal(k4, (DIM,), dtype=jnp.float32) * 0.01
    return {"input_ids": input_ids, "table": table, "W": W, "b": b}

def reference(input_ids, table, W, b):
    # nn.Embedding lookup
    x = jnp.take(table, input_ids, axis=0)  # [B, L, DIM]
    # nn.Linear: x @ W.T + b
    x = jnp.einsum('bld,od->blo', x, W) + b
    return x

if __name__ == "__main__":
    import jax
    _d = setup_inputs()
    print(jax.jit(kernel)(*tuple(_d.values())))

</pallas_src>

<mosaic_0001>
#map = affine_map<(d0, d1) -> (0, 0)>
module attributes {stable_mosaic.version = 14 : i64} {
  func.func @_gather_rows(%arg0: i32, %arg1: i32, %arg2: memref<6400x128xi32, #tpu.memory_space<hbm>>, %arg3: memref<50264x16xf32, #tpu.memory_space<hbm>>, %arg4: memref<819200x16xf32, #tpu.memory_space<hbm>>, %arg5: memref<200x128xi32, #tpu.memory_space<vmem>>, %arg6: memref<3200x16xf32, #tpu.memory_space<vmem>>, %arg7: memref<!tpu.dma_semaphore, #tpu.memory_space<semaphore_mem>>) attributes {dimension_semantics = [#tpu.dimension_semantics<core_parallel>, #tpu.dimension_semantics<subcore_parallel>], iteration_bounds = array<i64: 2, 16>, scalar_prefetch = 0 : i64, scratch_operands = 3 : i64, tpu.core_type = #tpu.core_type<sc_vector_subcore>, window_params = [{transform_indices = #map}, {transform_indices = #map}, {transform_indices = #map}]} {
    %mul3A = arith.constant 2 : i32
    %mul3A_0 = arith.muli %arg1, %mul3A : i32
    %add3A = arith.addi %mul3A_0, %arg0 : i32
    %mul3A_1 = arith.constant 200 : i32
    %mul3A_2 = arith.muli %add3A, %mul3A_1 : i32
    "tpu.region"() ({
      %run_scoped3A = tpu.sem_alloc : memref<!tpu.dma_semaphore, #tpu.memory_space<semaphore_mem>>
      %dma_start3A = arith.constant 0 : i32
      %dma_start3A_8 = tpu.memref_slice %arg2[%mul3A_2, %dma_start3A] : memref<6400x128xi32, #tpu.memory_space<hbm>> -> memref<200x128xi32, #tpu.memory_space<hbm>>
      %dma_start3A_9 = arith.constant 0 : i32
      %dma_start3A_10 = tpu.memref_slice %arg2[%mul3A_2, %dma_start3A_9] : memref<6400x128xi32, #tpu.memory_space<hbm>> -> memref<200x128xi32, #tpu.memory_space<hbm>>
      tpu.enqueue_dma source(%dma_start3A_10 : memref<200x128xi32, #tpu.memory_space<hbm>>) target(%arg5 : memref<200x128xi32, #tpu.memory_space<vmem>>) target_semaphore(%run_scoped3A : memref<!tpu.dma_semaphore, #tpu.memory_space<semaphore_mem>>)
      %dma_wait3A = arith.constant 0 : i32
      %dma_wait3A_11 = tpu.memref_slice %arg2[%mul3A_2, %dma_wait3A] : memref<6400x128xi32, #tpu.memory_space<hbm>> -> memref<200x128xi32, #tpu.memory_space<hbm>>
      %dma_wait3A_12 = arith.constant 0 : i32
      %dma_wait3A_13 = tpu.memref_slice %arg2[%mul3A_2, %dma_wait3A_12] : memref<6400x128xi32, #tpu.memory_space<hbm>> -> memref<200x128xi32, #tpu.memory_space<hbm>>
      tpu.wait_dma2 semaphore(%run_scoped3A : memref<!tpu.dma_semaphore, #tpu.memory_space<semaphore_mem>>) src(%dma_wait3A_13 : memref<200x128xi32, #tpu.memory_space<hbm>>) dst(%arg5 : memref<200x128xi32, #tpu.memory_space<vmem>>)
      tpu.yield
    }) : () -> ()
    %scan3A = arith.constant 0 : i32
    %scan3A_3 = arith.constant 0 : i32
    %scan3A_4 = arith.constant 8 : i32
    %scan3A_5 = arith.addi %scan3A_3, %scan3A_4 : i32
    %scan3A_6 = arith.constant 1 : i32
    scf.for %scan3A_8 = %scan3A_3 to %scan3A_5 step %scan3A_6  : i32 {
      %scan3A_9 = arith.constant 0 : i32
      %scan3A_10 = arith.constant 0 : i32
      %scan3A_11 = arith.constant 25 : i32
      %scan3A_12 = arith.addi %scan3A_10, %scan3A_11 : i32
      %scan3A_13 = arith.constant 1 : i32
      scf.for %scan3A_26 = %scan3A_10 to %scan3A_12 step %scan3A_13  : i32 {
        %mul3A_27 = arith.constant 25 : i32
        %mul3A_28 = arith.muli %scan3A_8, %mul3A_27 : i32
        %add3A_29 = arith.addi %mul3A_28, %scan3A_26 : i32
        %mul3A_30 = arith.constant 128 : i32
        %mul3A_31 = arith.muli %scan3A_26, %mul3A_30 : i32
        %dma_start3A = arith.constant 0 : i32
        %dma_start3A_32 = tpu.memref_slice %arg6[%mul3A_31, %dma_start3A] : memref<3200x16xf32, #tpu.memory_space<vmem>> -> memref<128x16xf32, #tpu.memory_space<vmem>>
        %dma_start3A_33 = arith.constant 0 : i32
        %dma_start3A_34 = tpu.memref_slice %arg5[%add3A_29, %dma_start3A_33] : memref<200x128xi32, #tpu.memory_space<vmem>> -> memref<1x128xi32, #tpu.memory_space<vmem>>
        %dma_start3A_35 = tpu.memref_squeeze %dma_start3A_34 : memref<1x128xi32, #tpu.memory_space<vmem>> -> memref<128xi32, #tpu.memory_space<vmem>>
        %dma_start3A_36 = arith.constant 0 : i32
        %dma_start3A_37 = arith.constant 0 : i32
        %dma_start3A_38 = tpu.memref_slice %arg3[%dma_start3A_36, %dma_start3A_37] : memref<50264x16xf32, #tpu.memory_space<hbm>> -> memref<50264x16xf32, #tpu.memory_space<hbm>>
        tpu.enqueue_indirect_dma source(%dma_start3A_38 : memref<50264x16xf32, #tpu.memory_space<hbm>>) target(%dma_start3A_32 : memref<128x16xf32, #tpu.memory_space<vmem>>) offsets(%dma_start3A_35 : memref<128xi32, #tpu.memory_space<vmem>>) semaphore(%arg7 : memref<!tpu.dma_semaphore, #tpu.memory_space<semaphore_mem>>)
      }
      %scan3A_14 = arith.constant 25 : i32
      %scan3A_15 = arith.constant 0 : i32
      %scan3A_16 = arith.constant 0 : i32
      %scan3A_17 = arith.constant 25 : i32
      %scan3A_18 = arith.addi %scan3A_16, %scan3A_17 : i32
      %scan3A_19 = arith.constant 1 : i32
      scf.for %scan3A_26 = %scan3A_16 to %scan3A_18 step %scan3A_19  : i32 {
        %mul3A_27 = arith.constant 25 : i32
        %mul3A_28 = arith.muli %scan3A_8, %mul3A_27 : i32
        %add3A_29 = arith.addi %mul3A_28, %scan3A_26 : i32
        %mul3A_30 = arith.constant 128 : i32
        %mul3A_31 = arith.muli %scan3A_26, %mul3A_30 : i32
        %dma_wait3A = arith.constant 0 : i32
        %dma_wait3A_32 = tpu.memref_slice %arg6[%mul3A_31, %dma_wait3A] : memref<3200x16xf32, #tpu.memory_space<vmem>> -> memref<128x16xf32, #tpu.memory_space<vmem>>
        %dma_wait3A_33 = arith.constant 0 : i32
        %dma_wait3A_34 = tpu.memref_slice %arg5[%add3A_29, %dma_wait3A_33] : memref<200x128xi32, #tpu.memory_space<vmem>> -> memref<1x128xi32, #tpu.memory_space<vmem>>
        %dma_wait3A_35 = tpu.memref_squeeze %dma_wait3A_34 : memref<1x128xi32, #tpu.memory_space<vmem>> -> memref<128xi32, #tpu.memory_space<vmem>>
        %dma_wait3A_36 = arith.constant 0 : i32
        %dma_wait3A_37 = arith.constant 0 : i32
        %dma_wait3A_38 = tpu.memref_slice %arg3[%dma_wait3A_36, %dma_wait3A_37] : memref<50264x16xf32, #tpu.memory_space<hbm>> -> memref<50264x16xf32, #tpu.memory_space<hbm>>
        tpu.wait_indirect_dma semaphore(%arg7 : memref<!tpu.dma_semaphore, #tpu.memory_space<semaphore_mem>>) src(%dma_wait3A_38 : memref<50264x16xf32, #tpu.memory_space<hbm>>) dst(%dma_wait3A_32 : memref<128x16xf32, #tpu.memory_space<vmem>>)
      }
      %scan3A_20 = arith.constant 25 : i32
      %mul3A_21 = arith.constant 25600 : i32
      %mul3A_22 = arith.muli %add3A, %mul3A_21 : i32
      %mul3A_23 = arith.constant 3200 : i32
      %mul3A_24 = arith.muli %scan3A_8, %mul3A_23 : i32
      %add3A_25 = arith.addi %mul3A_22, %mul3A_24 : i32
      "tpu.region"() ({
        %run_scoped3A = tpu.sem_alloc : memref<!tpu.dma_semaphore, #tpu.memory_space<semaphore_mem>>
        %dma_start3A = arith.constant 0 : i32
        %dma_start3A_26 = tpu.memref_slice %arg4[%add3A_25, %dma_start3A] : memref<819200x16xf32, #tpu.memory_space<hbm>> -> memref<3200x16xf32, #tpu.memory_space<hbm>>
        %dma_start3A_27 = arith.constant 0 : i32
        %dma_start3A_28 = tpu.memref_slice %arg4[%add3A_25, %dma_start3A_27] : memref<819200x16xf32, #tpu.memory_space<hbm>> -> memref<3200x16xf32, #tpu.memory_space<hbm>>
        tpu.enqueue_dma source(%arg6 : memref<3200x16xf32, #tpu.memory_space<vmem>>) target(%dma_start3A_28 : memref<3200x16xf32, #tpu.memory_space<hbm>>) target_semaphore(%run_scoped3A : memref<!tpu.dma_semaphore, #tpu.memory_space<semaphore_mem>>)
        %dma_wait3A = arith.constant 0 : i32
        %dma_wait3A_29 = tpu.memref_slice %arg4[%add3A_25, %dma_wait3A] : memref<819200x16xf32, #tpu.memory_space<hbm>> -> memref<3200x16xf32, #tpu.memory_space<hbm>>
        %dma_wait3A_30 = arith.constant 0 : i32
        %dma_wait3A_31 = tpu.memref_slice %arg4[%add3A_25, %dma_wait3A_30] : memref<819200x16xf32, #tpu.memory_space<hbm>> -> memref<3200x16xf32, #tpu.memory_space<hbm>>
        tpu.wait_dma2 semaphore(%run_scoped3A : memref<!tpu.dma_semaphore, #tpu.memory_space<semaphore_mem>>) src(%arg6 : memref<3200x16xf32, #tpu.memory_space<vmem>>) dst(%dma_wait3A_31 : memref<3200x16xf32, #tpu.memory_space<hbm>>)
        tpu.yield
      }) : () -> ()
    }
    %scan3A_7 = arith.constant 8 : i32
    return
  }
}

module attributes {stable_mosaic.version = 14 : i64} {
  func.func @_project_body(%arg0: i32, %arg1: memref<8192x10xf32, #tpu.memory_space<vmem>>, %arg2: memref<10x16xf32, #tpu.memory_space<vmem>>, %arg3: memref<1x16xf32, #tpu.memory_space<vmem>>, %arg4: memref<8192x16xf32, #tpu.memory_space<vmem>>) attributes {dimension_semantics = [#tpu.dimension_semantics<arbitrary>], iteration_bounds = array<i64: 7>, scalar_prefetch = 0 : i64, scratch_operands = 0 : i64, tpu.core_type = #tpu.core_type<tc>, window_params = [{transform_indices = @transform_0, window_bounds = array<i64: 8192, 10>}, {pipeline_mode = #tpu.pipeline_mode<synchronous>, transform_indices = @transform_1, window_bounds = array<i64: 10, 16>}, {pipeline_mode = #tpu.pipeline_mode<synchronous>, transform_indices = @transform_2, window_bounds = array<i64: 1, 16>}, {transform_indices = @transform_3, window_bounds = array<i64: 8192, 16>}]} {
    %get3A = arith.constant 0 : index
    %get3A_0 = arith.constant 0 : index
    %get3A_1 = vector.load %arg1[%get3A, %get3A_0] : memref<8192x10xf32, #tpu.memory_space<vmem>>, vector<8192x10xf32>
    %get3A_2 = arith.constant 0 : index
    %get3A_3 = arith.constant 0 : index
    %get3A_4 = vector.load %arg2[%get3A_2, %get3A_3] : memref<10x16xf32, #tpu.memory_space<vmem>>, vector<10x16xf32>
    %dot_general3A = arith.constant dense<0.000000e+00> : vector<8192x16xf32>
    %dot_general3A_5 = tpu.matmul %get3A_1, %get3A_4, %dot_general3A {dimension_numbers = #tpu.dot_dimension_numbers<[1], [0], [0], [1], [0, 0, 1, 1], [], []>, transpose_lhs_hint = false} : vector<8192x10xf32>, vector<10x16xf32>, vector<8192x16xf32> -> vector<8192x16xf32>
    %get3A_6 = arith.constant 0 : index
    %get3A_7 = arith.constant 0 : index
    %get3A_8 = vector.load %arg3[%get3A_6, %get3A_7] : memref<1x16xf32, #tpu.memory_space<vmem>>, vector<1x16xf32>
    %add3A = vector.broadcast %get3A_8 : vector<1x16xf32> to vector<8192x16xf32>
    %add3A_9 = arith.addf %dot_general3A_5, %add3A : vector<8192x16xf32>
    %swap3A = arith.constant 0 : index
    %swap3A_10 = arith.constant 0 : index
    %swap3A_11 = vector.load %arg4[%swap3A, %swap3A_10] : memref<8192x16xf32, #tpu.memory_space<vmem>>, vector<8192x16xf32>
    tpu.vector_store %arg4[%swap3A, %swap3A_10], %add3A_9 {strides = array<i32>} : memref<8192x16xf32, #tpu.memory_space<vmem>>, vector<8192x16xf32>,
    return
  }
  func.func @transform_0(%arg0: i32) -> (i32, i32) {
    %c0_i32 = arith.constant 0 : i32
    %c0_i32_0 = arith.constant 0 : i32
    return %arg0, %c0_i32 : i32, i32
  }
  func.func @transform_1(%arg0: i32) -> (i32, i32) {
    %c0_i32 = arith.constant 0 : i32
    %c0_i32_0 = arith.constant 0 : i32
    %c0_i32_1 = arith.constant 0 : i32
    return %c0_i32, %c0_i32_0 : i32, i32
  }
  func.func @transform_2(%arg0: i32) -> (i32, i32) {
    %c0_i32 = arith.constant 0 : i32
    %c0_i32_0 = arith.constant 0 : i32
    %c0_i32_1 = arith.constant 0 : i32
    return %c0_i32, %c0_i32_0 : i32, i32
  }
  func.func @transform_3(%arg0: i32) -> (i32, i32) {
    %c0_i32 = arith.constant 0 : i32
    %c0_i32_0 = arith.constant 0 : i32
    return %arg0, %c0_i32 : i32, i32
  }
}

</mosaic_0001>

<sc_bundles>
// kernel: kernel.4.cloned.1.call-start
scs
__scs_entry_jumppad:
0x0: {  	(pc) =	sbr.rel $0x88, $3  }
0x1: {  	(tag) =	ssettag $0x0;
	lr =	simm.s32 $0x1  }
0x2: {  	[smem:$0x3F9D] =	sst lr;
	_ =	strace $0xD0000000  }
0x3: {  	_ = 	snop  }
0x4: {  	_ = 	snop  }
0x5: {  	_ = 	snop  }
0x6: {  	_ = 	snop  }
0x7: {  	_ = 	snop  }
__scs_overlays_trampoline_lowered:
0x8: {  	[smem:$0x3FAC] =	sst s0  }
0x9: {  	[smem:$0x3FAD] =	sst s1  }
0xa: {  	[smem:$0x3FAE] =	sst s2  }
0xb: {  	[smem:$0x3FAF] =	sst s3  }
0xc: {  	[smem:$0x3FB0] =	sst s4  }
0xd: {  	[smem:$0x3FB1] =	sst s5  }
0xe: {  	[smem:$0x3FB2] =	sst s6  }
0xf: {  	[smem:$0x3FB3] =	sst s7  }
0x10: {  	[smem:$0x3FB4] =	sst s8  }
0x11: {  	[smem:$0x3FB5] =	sst s9;
	s0 =	simm.s32 @!p0 $0x0  }
0x12: {  	s1 =	sld [smem:$0x3F9B];
	s0 =	simm.s32 @p0 $0x1  }
0x13: {  	[smem:$0x3FB6] =	sst s0;
	s0 =	simm.s32 @!p1 $0x0  }
0x14: {  	s2 =	sld [smem:$0x3F9A];
	s0 =	simm.s32 @p1 $0x1  }
0x15: {  	[smem:$0x3FB7] =	sst s0;
	s0 =	simm.s32 @!p2 $0x0  }
0x16: {  	s3 =	sld [smem:$0x3FDB];
	s0 =	simm.s32 @p2 $0x1  }
0x17: {  	s4 =	simm.s32 $0x1BF5;
	[smem:$0x3FB9] =	sst s0  }
0x18: {  	s0 =	sld [smem:$0x3F9C];
	_ =	swait.ge [sflag:s4], $0x0  }
0x19: {  	s7 =	sld [smem:$0x3F9D]  }
0x1a: {  	s8 =	sadd.s32 $0xFFFFE003, lr  }
0x1b: {  	s9 =	sadd.s32 $0xFFFFFEF7, lr;
	s5 =	simm.s32 $0xFFFFFFFF;
	p2 =	slt.u32 s8, $0xFFFFF086  }
0x1c: {  	p1 =	slt.u32 s9, $0xF7A;
	s5 =	simm.s32 @!p2 $0x0  }
0x1d: {  	s5 =	simm.s32 @p1 $0x1;
	p0 =	seq.s32 s7, s2  }
0x1e: {  	s7 =	smul.u32 @!p0 $0xF7A, s2;
	p2 =	seq.s32 @!p0 s5, $0x0  }
0x1f: {  	s9 =	smul.u32 $0xF7A, s1;
	s8 =	simm.s32 @!p0 $0x1BF5;
	p2 =	por !p2, p0  }
0x20: {  	[sflag:s8] =	ssyncset.s32 @!p0 $0xFFFFF086;
	s6 =	sadd.s32 @!p0 s3, s7;
	s7 =	simm.s32 @!p0 $0x108  }
0x21: {  	s3 =	sadd.s32 s3, s9;
	s6 =	sadd.s32 @!p0 $0x88, s6;
	s7 =	simm.s32 @p2 $0x1082  }
0x22: {  	[simem:s7], [sflag:s8] =	dma.local @!p0 [hbm:s6], $0xF7A  }
0x23: {  	s9 =	sor.u32 $0xD0000000, s2;
	s6 =	simm.s32 $0x108;
	_ =	swait.ge @!p0 [sflag:s8], $0x0  }
0x24: {  	s3 =	sadd.s32 $0x88, s3;
	s6 =	simm.s32 @!p1 $0x1082;
	[sflag:s4] =	ssyncset.s32 $0xFFFFF086  }
0x25: {  	[simem:s6], [sflag:s4] =	dma.local [hbm:s3], $0xF7A  }
0x26: {  	[smem:$0x3F9D] =	sst s1;
	(tag) =	ssettag s2;
	_ =	strace s9  }
0x27: {  	s1 =	sld [smem:$0x3FAD]  }
0x28: {  	s2 =	sld [smem:$0x3FAE]  }
0x29: {  	s4 =	sld [smem:$0x3FB0]  }
0x2a: {  	p0 =	seq.s32 s5, $0x0;
	s5 =	sld [smem:$0x3FB1]  }
0x2b: {  	s6 =	sld [smem:$0x3FB2]  }
0x2c: {  	s7 =	sld [smem:$0x3FB3]  }
0x2d: {  	s3 =	simm.s32 $0x108;
	s8 =	sld [smem:$0x3FB4]  }
0x2e: {  	s3 =	simm.s32 @!p0 $0x1082;
	s9 =	sld [smem:$0x3FB5]  }
0x2f: {  	lr =	sadd.s32 s0, s3;
	s0 =	sld [smem:$0x3FAC]  }
0x30: {  	s3 =	sld [smem:$0x3FAF]  }
0x31: {  	[smem:$0x3FB8] =	sst s10  }
0x32: {  	s10 =	sld [smem:$0x3FB6];
	_ =	sdelay $0x3  }
0x33: {  	p0 =	seq.s32 s10, $0x1;
	s10 =	sld [smem:$0x3FB8];
	_ =	sdelay $0x3  }
0x34: {  	[smem:$0x3FB8] =	sst s10  }
0x35: {  	s10 =	sld [smem:$0x3FB7];
	_ =	sdelay $0x3  }
0x36: {  	p1 =	seq.s32 s10, $0x1;
	s10 =	sld [smem:$0x3FB8];
	_ =	sdelay $0x3  }
0x37: {  	[smem:$0x3FB8] =	sst s10  }
0x38: {  	s10 =	sld [smem:$0x3FB9]  }
0x39: {  	_ = 	snop;
	(pc) =	sbr.ind lr, $3  }
0x3a: {  	_ = 	snop  }
0x3b: {  	_ = 	snop  }
0x3c: {  	p2 =	seq.s32 s10, $0x1;
	s10 =	sld [smem:$0x3FB8]  }
0x3d: {  	_ =	shalt  }
0x3e: {  	_ =	shalt  }
0x3f: {  	_ =	shalt  }
0x40: {  	_ =	shalt  }
0x41: {  	_ =	shalt  }
0x42: {  	_ =	shalt  }
0x43: {  	_ =	shalt  }
0x44: {  	_ =	shalt  }
0x45: {  	_ =	shalt  }
0x46: {  	_ =	shalt  }
0x47: {  	_ =	shalt  }
0x48: {  	_ =	shalt  }
0x49: {  	_ =	shalt  }
0x4a: {  	_ =	shalt  }
0x4b: {  	_ =	shalt  }
0x4c: {  	_ =	shalt  }
0x4d: {  	_ =	shalt  }
0x4e: {  	_ =	shalt  }
0x4f: {  	_ =	shalt  }
0x50: {  	_ =	shalt  }
0x51: {  	_ =	shalt  }
0x52: {  	_ =	shalt  }
0x53: {  	_ =	shalt  }
0x54: {  	_ =	shalt  }
0x55: {  	_ =	shalt  }
0x56: {  	_ =	shalt  }
0x57: {  	_ =	shalt  }
0x58: {  	_ =	shalt  }
0x59: {  	_ =	shalt  }
0x5a: {  	_ =	shalt  }
0x5b: {  	_ =	shalt  }
0x5c: {  	_ =	shalt  }
0x5d: {  	_ =	shalt  }
0x5e: {  	_ =	shalt  }
0x5f: {  	_ =	shalt  }
0x60: {  	_ =	shalt  }
0x61: {  	_ =	shalt  }
0x62: {  	_ =	shalt  }
0x63: {  	_ =	shalt  }
0x64: {  	_ =	shalt  }
0x65: {  	_ =	shalt  }
0x66: {  	_ =	shalt  }
0x67: {  	_ =	shalt  }
0x68: {  	_ =	shalt  }
0x69: {  	_ =	shalt  }
0x6a: {  	_ =	shalt  }
0x6b: {  	_ =	shalt  }
0x6c: {  	_ =	shalt  }
0x6d: {  	_ =	shalt  }
0x6e: {  	_ =	shalt  }
0x6f: {  	_ =	shalt  }
0x70: {  	_ =	shalt  }
0x71: {  	_ =	shalt  }
0x72: {  	_ =	shalt  }
0x73: {  	_ =	shalt  }
0x74: {  	_ =	shalt  }
0x75: {  	_ =	shalt  }
0x76: {  	_ =	shalt  }
0x77: {  	_ =	shalt  }
0x78: {  	_ =	shalt  }
0x79: {  	_ =	shalt  }
0x7a: {  	_ =	shalt  }
0x7b: {  	_ =	shalt  }
0x7c: {  	_ =	shalt  }
0x7d: {  	_ =	shalt  }
0x7e: {  	_ =	shalt  }
0x7f: {  	_ =	shalt  }
0x80: {  	_ =	shalt  }
0x81: {  	_ =	shalt  }
0x82: {  	_ =	shalt  }
0x83: {  	_ =	shalt  }
0x84: {  	_ =	shalt  }
0x85: {  	_ =	shalt  }
0x86: {  	_ =	shalt  }
0x87: {  	_ =	shalt  }
.Lfunc_end0:
.L_simem_size_0:
called_computation_lowered:
.L_overlay_start_0:
0x88: {  	s2 =	sld [smem:$0x3FD9]  }
0x89: {  	s3 =	sld [smem:$0x3FFE];
	_ =	sdelay $0x1  }
0x8a: {  	s1 =	srdreg.scid  }
0x8b: {  	s0 =	sand.u32 $0x1, s1  }
0x8c: {  	s17 =	sshll.u32 s0, $0xA;
	s2 =	sadd.s32 s3, s2  }
0x8d: {  	s2 =	sadd.s32 s2, s17  }
0x8e: {  	[smem:$0x3FC4] =	sst s2  }
0x8f: {  	_ = 	snop  }
0x90: {  	s2 =	sld [smem:$0x3FD0];
	(tm) =	ssettm $0x1  }
0x91: {  	s18 =	sld [smem:$0x3FFB];
	_ =	sdelay $0x3  }
0x92: {  	_ =	strace s18  }
0x93: {  	s3 =	sld [smem:$0x3FFC];
	_ =	sdelay $0x3  }
0x94: {  	_ =	strace s3  }
0x95: {  	s3 =	sld [smem:$0x3FFD];
	_ =	sdelay $0x3  }
0x96: {  	_ =	strace s3  }
0x97: {  	_ =	strace $0x8FFFFFFF  }
0x98: {  	s19 =	sld [smem:$0x3FDB];
	_ =	sdelay $0x1  }
0x99: {  	s4 =	simm.s32 $_scs_section_size  }
0x9a: {  	s5 =	simm.s32 $_size__tile_overlayer_lowered;
	s6 =	simm.s32 $_tile_overlayer_lowered  }
0x9b: {  	s22 =	simm.s32 $0x1BFF;
	s21 =	sshll.u32 s6, $0x1;
	s3 =	sadd.s32 s4, s19  }
0x9c: {  	s7 =	simm.s32 $0x0;
	s20 =	sshll.u32 s5, $0x1;
	s5 =	sadd.s32 s21, s3  }
0x9d: {  	[timem:s7], [sflag:s22] =	dma.local [hbm:s5], s20  }
0x9e: {  	_ =	swait.ge [sflag:s22], s20  }
0x9f: {  	s4 =	ssub.s32 $0x0, s20;
	[sflag:s22] =	ssyncset.done $0x0  }
0xa0: {  	[sflag:s22] =	ssyncadd.s32 s4;
	_ =	sdelay $0x1  }
0xa1: {  	s23 =	simm.s32 $0x1B8B  }
0xa2: {  	_ =	swait.ge [sflag:s23], $0x1  }
0xa3: {  	[sflag:s23] =	ssyncset.done $0x0  }
0xa4: {  	s25 =	simm.s32 $0x1B8E;
	s24 =	sld [smem:$0x3FFE];
	[sflag:s23] =	ssyncadd.s32 $0xFFFFFFFF  }
0xa5: {  	s26 =	simm.s32 $execute0_lowered;
	[smem:$0x3FD2] =	sst s25  }
0xa6: {  	s5 =	sshll.u32 s26, $0x1;
	_ =	strace $0x80000046;
	[dreg:$0x1] =	wrdreg $0xFFFFFFFF  }
0xa7: {  	s28 =	simm.s32 $_size_execute0_lowered;
	s3 =	sadd.s32 s3, s5;
	[dreg:$0x0] =	wrdreg $0x0  }
0xa8: {  	s5 =	sshll.u32 s28, $0x1;
	[dreg:$0x2] =	wrdreg s3  }
0xa9: {  	[dreg:$0x3] =	wrdreg s5  }
0xaa: {  	[dreg:$0x4] =	wrdreg $0xC0  }
0xab: {  	_ =	task [dreg:s7], $0x5FFFF  }
0xac: {  	[dreg:$0x1] =	wrdreg $0xFFFFFFFF  }
0xad: {  	[dreg:$0x0] =	wrdreg $0x60  }
0xae: {  	[dreg:$0x2] =	wrdreg s24  }
0xaf: {  	[dreg:$0x3] =	wrdreg s2  }
0xb0: {  	[dreg:$0x4] =	wrdreg $0x9  }
0xb1: {  	_ =	task.clear_ibuf [dreg:s7], $0x5FFFF;
	_ =	strace $0x90000046  }
0xb2: {  	s29 =	simm.s32 $0x9;
	_ =	strace $0x80000048  }
0xb3: {  	_ =	swait.ge [sflag:s29], $0x1  }
0xb4: {  	[sflag:s29] =	ssyncadd.s32 $0xFFFFFFFF  }
0xb5: {  	_ =	strace $0x90000048  }
0xb6: {  	_ =	sfence  }
0xb7: {  	s30 =	sld [smem:$0x0];
	_ =	sdelay $0x2  }
0xb8: {  	s31 =	sshll.u32 s1, $0xD;
	s1 =	sshrl.u32 s1, $0x2  }
0xb9: {  	s3 =	sand.u32 $0x4000, s31;
	s1 =	sadd.s32 s1, s30  }
0xba: {  	s0 =	sor.u32 s3, s0;
	s1 =	sshll.u32 s1, $0x11  }
0xbb: {  	s0 =	sor.u32 s1, s0  }
0xbc: {  	s0 =	sadd.s32 $0x8F2B, s0  }
0xbd: {  	[sflag:s0] =	ssyncadd.remote.s32 $0x1  }
0xbe: {  	_ =	sfence.sel $0xFFFF  }
0xbf: {  	[dreg:$0x0] =	wrdreg $0xFFFFFFFF;
	(pc) =	sbr.abs _section_cstart, $3  }
0xc0: {  	[dreg:$0x1] =	wrdreg $0xFFFFFFFF  }
0xc1: {  	_ =	task.clear_ibuf [dreg:s7], $0x2FFFF;
	_ =	strace $0x9FFFFFFF  }
0xc2: {  	(tm) =	ssettm $0x7FFFFFFF  }
0xc3: {  	_ =	shalt  }
tec
execute0_lowered:
.L_overlay_start_1:
0x0: {  	(tag) =	ssettag $0x1  }
0x1: {  	s4 =	rddreg [dreg:$0x0]  }
0x2: {  	s1 =	rddreg [dreg:$0x1]  }
0x3: {  	s0 =	rddreg [dreg:$0x2];
	s2 =	simm.s32 $0x0  }
0x4: {  	s3 =	simm.s32 $0x6C00;
	[smem:$0x7FF] =	sst s2  }
0x5: {  	s10 =	simm.s32 $0x7400;
	_ =	strace $0x80000047;
	[dreg:$0x3] =	wrdreg s3  }
0x6: {  	s11 =	simm.s32 $0x7C00;
	[dreg:$0x4] =	wrdreg s10  }
0x7: {  	s12 =	simm.s32 $0x8400;
	[dreg:$0x5] =	wrdreg s11  }
0x8: {  	s5 =	simm.s32 $0x8C00;
	[dreg:$0x6] =	wrdreg s12  }
0x9: {  	s13 =	simm.s32 $0x9400;
	[dreg:$0x7] =	wrdreg s5  }
0xa: {  	s14 =	simm.s32 $0x9C00;
	[dreg:$0x8] =	wrdreg s13  }
0xb: {  	s15 =	simm.s32 $0xA400;
	[dreg:$0x9] =	wrdreg s14  }
0xc: {  	s16 =	simm.s32 $0xAC00;
	[dreg:$0xa] =	wrdreg s15  }
0xd: {  	s17 =	simm.s32 $0xB400;
	[dreg:$0xb] =	wrdreg s16  }
0xe: {  	s18 =	simm.s32 $0xBC00;
	[dreg:$0xc] =	wrdreg s17  }
0xf: {  	s19 =	simm.s32 $0xC400;
	[dreg:$0xd] =	wrdreg s18  }
0x10: {  	s20 =	simm.s32 $0xCC00;
	[dreg:$0xe] =	wrdreg s19  }
0x11: {  	s21 =	simm.s32 $0xD400;
	[dreg:$0xf] =	wrdreg s20  }
0x12: {  	s22 =	simm.s32 $0xDC00;
	[dreg:$0x10] =	wrdreg s21  }
0x13: {  	s23 =	simm.s32 $0xE400;
	[dreg:$0x11] =	wrdreg s22  }
0x14: {  	s24 =	simm.s32 $0xEC00;
	[dreg:$0x12] =	wrdreg s23  }
0x15: {  	s25 =	simm.s32 $0xF400;
	[dreg:$0x13] =	wrdreg s24  }
0x16: {  	s26 =	simm.s32 $0xFC00;
	[dreg:$0x14] =	wrdreg s25  }
0x17: {  	s28 =	simm.s32 $0x10400;
	[dreg:$0x15] =	wrdreg s26  }
0x18: {  	s29 =	simm.s32 $0x10C00;
	[dreg:$0x16] =	wrdreg s28  }
0x19: {  	s7 =	srdreg.scid;
	s30 =	simm.s32 $0x11400;
	[dreg:$0x17] =	wrdreg s29  }
0x1a: {  	s31 =	simm.s32 $0x11C00;
	s7 =	sand.u32 $0x1, s7;
	[dreg:$0x18] =	wrdreg s30  }
0x1b: {  	s3 =	stileid.u32;
	s8 =	ssub.s32 $0x2, s7;
	[dreg:$0x19] =	wrdreg s31  }
0x1c: {  	s11 =	simm.s32 $0x1;
	s12 =	simm.s32 $0x0;
	s10 =	sshll.u32 s3, $0x1  }
0x1d: {  	s6 =	smul.u32 $0x19000, s3;
	s9 =	sshrl.u32 s8, $0x1;
	s10 =	sor.u32 s7, s10  }
0x1e: {  	s8 =	ssub.s32 s8, s9;
	s7 =	smul.u32 $0xC800, s7;
	s9 =	simm.s32 $0x6400  }
0x1f: {  	s6 =	sadd.s32 s6, s4;
	s10 =	smul.u32 $0xC80, s10;
	s5 =	smax.u32 s8, $0x1  }
0x20: {  	s8 =	simm.s32 $0x80;
	s6 =	sadd.s32 s7, s6;
	s7 =	simm.s32 $0x2  }
0x21: {  	s4 =	sadd.s32 s4, s10;
	s6 =	sadd.s32 $0x19000, s6;
	s10 =	simm.s32 $0x12400  }
.LBB2_1:
0x22: {  	[tilespmem:s2], [sflag:$0x2] =	stream.linear.gather [hbm4b:s4+s2], $0x6400, $0x38;
	[tilespmem:$0x12C00] =	vst v63  }
0x23: {  	_ =	swait.ge [sflag:s7], $0x6400  }
0x24: {  	[sflag:s7] =	ssyncset.done $0x0  }
0x25: {  	s13 =	simm.s32 $0x0;
	[sflag:s7] =	ssyncadd.s32 $0xFFFF9C00  }
0x26: {  	[tilespmem:s9], [sflag:$0x1] =	stream.indirect.gather [hbm4b:s1+s8], $0x10, s13, s8, $0xb8;
	[tilespmem:$0x12C00] =	vst v63  }
0x27: {  	s18 =	simm.s32 $0x80;
	s14 =	rddreg [dreg:$0x3]  }
0x28: {  	[tilespmem:s14], [sflag:$0x1] =	stream.indirect.gather [hbm4b:s1+s8], $0x10, s18, s8, $0xb8;
	[tilespmem:$0x12C00] =	vst v63  }
0x29: {  	s20 =	simm.s32 $0x100;
	s15 =	rddreg [dreg:$0x4]  }
0x2a: {  	[tilespmem:s15], [sflag:$0x1] =	stream.indirect.gather [hbm4b:s1+s8], $0x10, s20, s8, $0xb8;
	[tilespmem:$0x12C00] =	vst v63  }
0x2b: {  	s21 =	simm.s32 $0x180;
	s19 =	rddreg [dreg:$0x5]  }
0x2c: {  	[tilespmem:s19], [sflag:$0x1] =	stream.indirect.gather [hbm4b:s1+s8], $0x10, s21, s8, $0xb8;
	[tilespmem:$0x12C00] =	vst v63  }
0x2d: {  	s24 =	simm.s32 $0x200;
	s22 =	rddreg [dreg:$0x6]  }
0x2e: {  	[tilespmem:s22], [sflag:$0x1] =	stream.indirect.gather [hbm4b:s1+s8], $0x10, s24, s8, $0xb8;
	[tilespmem:$0x12C00] =	vst v63  }
0x2f: {  	s25 =	simm.s32 $0x280;
	s23 =	rddreg [dreg:$0x7]  }
0x30: {  	[tilespmem:s23], [sflag:$0x1] =	stream.indirect.gather [hbm4b:s1+s8], $0x10, s25, s8, $0xb8;
	[tilespmem:$0x12C00] =	vst v63  }
0x31: {  	s28 =	simm.s32 $0x300;
	s26 =	rddreg [dreg:$0x8]  }
0x32: {  	[tilespmem:s26], [sflag:$0x1] =	stream.indirect.gather [hbm4b:s1+s8], $0x10, s28, s8, $0xb8;
	[tilespmem:$0x12C00] =	vst v63  }
0x33: {  	s30 =	simm.s32 $0x380;
	s29 =	rddreg [dreg:$0x9]  }
0x34: {  	[tilespmem:s29], [sflag:$0x1] =	stream.indirect.gather [hbm4b:s1+s8], $0x10, s30, s8, $0xb8;
	[tilespmem:$0x12C00] =	vst v63  }
0x35: {  	s31 =	rddreg [dreg:$0xa];
	s14 =	simm.s32 $0x400  }
0x36: {  	[tilespmem:s31], [sflag:$0x1] =	stream.indirect.gather [hbm4b:s1+s8], $0x10, s14, s8, $0xb8;
	[tilespmem:$0x12C00] =	vst v63  }
0x37: {  	s16 =	rddreg [dreg:$0xb];
	s18 =	simm.s32 $0x480  }
0x38: {  	[tilespmem:s16], [sflag:$0x1] =	stream.indirect.gather [hbm4b:s1+s8], $0x10, s18, s8, $0xb8;
	[tilespmem:$0x12C00] =	vst v63  }
0x39: {  	s17 =	rddreg [dreg:$0xc];
	s19 =	simm.s32 $0x500  }
0x3a: {  	[tilespmem:s17], [sflag:$0x1] =	stream.indirect.gather [hbm4b:s1+s8], $0x10, s19, s8, $0xb8;
	[tilespmem:$0x12C00] =	vst v63  }
0x3b: {  	s20 =	rddreg [dreg:$0xd];
	s22 =	simm.s32 $0x580  }
0x3c: {  	[tilespmem:s20], [sflag:$0x1] =	stream.indirect.gather [hbm4b:s1+s8], $0x10, s22, s8, $0xb8;
	[tilespmem:$0x12C00] =	vst v63  }
0x3d: {  	s21 =	rddreg [dreg:$0xe];
	s23 =	simm.s32 $0x600  }
0x3e: {  	[tilespmem:s21], [sflag:$0x1] =	stream.indirect.gather [hbm4b:s1+s8], $0x10, s23, s8, $0xb8;
	[tilespmem:$0x12C00] =	vst v63  }
0x3f: {  	s24 =	rddreg [dreg:$0xf];
	s25 =	simm.s32 $0x680  }
0x40: {  	[tilespmem:s24], [sflag:$0x1] =	stream.indirect.gather [hbm4b:s1+s8], $0x10, s25, s8, $0xb8;
	[tilespmem:$0x12C00] =	vst v63  }
0x41: {  	s26 =	rddreg [dreg:$0x10];
	s29 =	simm.s32 $0x700  }
0x42: {  	[tilespmem:s26], [sflag:$0x1] =	stream.indirect.gather [hbm4b:s1+s8], $0x10, s29, s8, $0xb8;
	[tilespmem:$0x12C00] =	vst v63  }
0x43: {  	s28 =	rddreg [dreg:$0x11];
	s30 =	simm.s32 $0x780  }
0x44: {  	[tilespmem:s28], [sflag:$0x1] =	stream.indirect.gather [hbm4b:s1+s8], $0x10, s30, s8, $0xb8;
	[tilespmem:$0x12C00] =	vst v63  }
0x45: {  	s31 =	rddreg [dreg:$0x12];
	s14 =	simm.s32 $0x800  }
0x46: {  	[tilespmem:s31], [sflag:$0x1] =	stream.indirect.gather [hbm4b:s1+s8], $0x10, s14, s8, $0xb8;
	[tilespmem:$0x12C00] =	vst v63  }
0x47: {  	s16 =	rddreg [dreg:$0x13];
	s18 =	simm.s32 $0x880  }
0x48: {  	[tilespmem:s16], [sflag:$0x1] =	stream.indirect.gather [hbm4b:s1+s8], $0x10, s18, s8, $0xb8;
	[tilespmem:$0x12C00] =	vst v63  }
0x49: {  	s17 =	rddreg [dreg:$0x14];
	s19 =	simm.s32 $0x900  }
0x4a: {  	[tilespmem:s17], [sflag:$0x1] =	stream.indirect.gather [hbm4b:s1+s8], $0x10, s19, s8, $0xb8;
	[tilespmem:$0x12C00] =	vst v63  }
0x4b: {  	s20 =	rddreg [dreg:$0x15];
	s21 =	simm.s32 $0x980  }
0x4c: {  	[tilespmem:s20], [sflag:$0x1] =	stream.indirect.gather [hbm4b:s1+s8], $0x10, s21, s8, $0xb8;
	[tilespmem:$0x12C00] =	vst v63  }
0x4d: {  	s22 =	rddreg [dreg:$0x16];
	s23 =	simm.s32 $0xA00  }
0x4e: {  	[tilespmem:s22], [sflag:$0x1] =	stream.indirect.gather [hbm4b:s1+s8], $0x10, s23, s8, $0xb8;
	[tilespmem:$0x12C00] =	vst v63  }
0x4f: {  	s24 =	rddreg [dreg:$0x17];
	s25 =	simm.s32 $0xA80  }
0x50: {  	[tilespmem:s24], [sflag:$0x1] =	stream.indirect.gather [hbm4b:s1+s8], $0x10, s25, s8, $0xb8;
	[tilespmem:$0x12C00] =	vst v63  }
0x51: {  	s26 =	rddreg [dreg:$0x18];
	s28 =	simm.s32 $0xB00  }
0x52: {  	[tilespmem:s26], [sflag:$0x1] =	stream.indirect.gather [hbm4b:s1+s8], $0x10, s28, s8, $0xb8;
	[tilespmem:$0x12C00] =	vst v63  }
0x53: {  	s29 =	rddreg [dreg:$0x19];
	s30 =	simm.s32 $0xB80  }
0x54: {  	[tilespmem:s29], [sflag:$0x1] =	stream.indirect.gather [hbm4b:s1+s8], $0x10, s30, s8, $0xb8;
	[tilespmem:$0x12C00] =	vst v63  }
0x55: {  	s31 =	simm.s32 $0xC00  }
0x56: {  	[tilespmem:s10], [sflag:$0x1] =	stream.indirect.gather [hbm4b:s1+s8], $0x10, s31, s8, $0xb8;
	[tilespmem:$0x12C00] =	vst v63  }
0x57: {  	_ =	swait.ge [sflag:s11], $0x800  }
0x58: {  	[sflag:s11] =	ssyncset.done $0x0  }
0x59: {  	[sflag:s11] =	ssyncadd.s32 $0xFFFFF800  }
0x5a: {  	_ =	swait.ge [sflag:s11], $0x800  }
0x5b: {  	[sflag:s11] =	ssyncset.done $0x0  }
0x5c: {  	[sflag:s11] =	ssyncadd.s32 $0xFFFFF800  }
0x5d: {  	_ =	swait.ge [sflag:s11], $0x800  }
0x5e: {  	[sflag:s11] =	ssyncset.done $0x0  }
0x5f: {  	[sflag:s11] =	ssyncadd.s32 $0xFFFFF800  }
0x60: {  	_ =	swait.ge [sflag:s11], $0x800  }
0x61: {  	[sflag:s11] =	ssyncset.done $0x0  }
0x62: {  	[sflag:s11] =	ssyncadd.s32 $0xFFFFF800  }
0x63: {  	_ =	swait.ge [sflag:s11], $0x800  }
0x64: {  	[sflag:s11] =	ssyncset.done $0x0  }
0x65: {  	[sflag:s11] =	ssyncadd.s32 $0xFFFFF800  }
0x66: {  	_ =	swait.ge [sflag:s11], $0x800  }
0x67: {  	[sflag:s11] =	ssyncset.done $0x0  }
0x68: {  	[sflag:s11] =	ssyncadd.s32 $0xFFFFF800  }
0x69: {  	_ =	swait.ge [sflag:s11], $0x800  }
0x6a: {  	[sflag:s11] =	ssyncset.done $0x0  }
0x6b: {  	[sflag:s11] =	ssyncadd.s32 $0xFFFFF800  }
0x6c: {  	_ =	swait.ge [sflag:s11], $0x800  }
0x6d: {  	[sflag:s11] =	ssyncset.done $0x0  }
0x6e: {  	[sflag:s11] =	ssyncadd.s32 $0xFFFFF800  }
0x6f: {  	_ =	swait.ge [sflag:s11], $0x800  }
0x70: {  	[sflag:s11] =	ssyncset.done $0x0  }
0x71: {  	[sflag:s11] =	ssyncadd.s32 $0xFFFFF800  }
0x72: {  	_ =	swait.ge [sflag:s11], $0x800  }
0x73: {  	[sflag:s11] =	ssyncset.done $0x0  }
0x74: {  	[sflag:s11] =	ssyncadd.s32 $0xFFFFF800  }
0x75: {  	_ =	swait.ge [sflag:s11], $0x800  }
0x76: {  	[sflag:s11] =	ssyncset.done $0x0  }
0x77: {  	[sflag:s11] =	ssyncadd.s32 $0xFFFFF800  }
0x78: {  	_ =	swait.ge [sflag:s11], $0x800  }
0x79: {  	[sflag:s11] =	ssyncset.done $0x0  }
0x7a: {  	[sflag:s11] =	ssyncadd.s32 $0xFFFFF800  }
0x7b: {  	_ =	swait.ge [sflag:s11], $0x800  }
0x7c: {  	[sflag:s11] =	ssyncset.done $0x0  }
0x7d: {  	[sflag:s11] =	ssyncadd.s32 $0xFFFFF800  }
0x7e: {  	_ =	swait.ge [sflag:s11], $0x800  }
0x7f: {  	[sflag:s11] =	ssyncset.done $0x0  }
0x80: {  	[sflag:s11] =	ssyncadd.s32 $0xFFFFF800  }
0x81: {  	_ =	swait.ge [sflag:s11], $0x800  }
0x82: {  	[sflag:s11] =	ssyncset.done $0x0  }
0x83: {  	[sflag:s11] =	ssyncadd.s32 $0xFFFFF800  }
0x84: {  	_ =	swait.ge [sflag:s11], $0x800  }
0x85: {  	[sflag:s11] =	ssyncset.done $0x0  }
0x86: {  	[sflag:s11] =	ssyncadd.s32 $0xFFFFF800  }
0x87: {  	_ =	swait.ge [sflag:s11], $0x800  }
0x88: {  	[sflag:s11] =	ssyncset.done $0x0  }
0x89: {  	[sflag:s11] =	ssyncadd.s32 $0xFFFFF800  }
0x8a: {  	_ =	swait.ge [sflag:s11], $0x800  }
0x8b: {  	[sflag:s11] =	ssyncset.done $0x0  }
0x8c: {  	[sflag:s11] =	ssyncadd.s32 $0xFFFFF800  }
0x8d: {  	_ =	swait.ge [sflag:s11], $0x800  }
0x8e: {  	[sflag:s11] =	ssyncset.done $0x0  }
0x8f: {  	[sflag:s11] =	ssyncadd.s32 $0xFFFFF800  }
0x90: {  	_ =	swait.ge [sflag:s11], $0x800  }
0x91: {  	[sflag:s11] =	ssyncset.done $0x0  }
0x92: {  	[sflag:s11] =	ssyncadd.s32 $0xFFFFF800  }
0x93: {  	_ =	swait.ge [sflag:s11], $0x800  }
0x94: {  	[sflag:s11] =	ssyncset.done $0x0  }
0x95: {  	[sflag:s11] =	ssyncadd.s32 $0xFFFFF800  }
0x96: {  	_ =	swait.ge [sflag:s11], $0x800  }
0x97: {  	[sflag:s11] =	ssyncset.done $0x0  }
0x98: {  	[sflag:s11] =	ssyncadd.s32 $0xFFFFF800  }
0x99: {  	_ =	swait.ge [sflag:s11], $0x800  }
0x9a: {  	[sflag:s11] =	ssyncset.done $0x0  }
0x9b: {  	[sflag:s11] =	ssyncadd.s32 $0xFFFFF800  }
0x9c: {  	_ =	swait.ge [sflag:s11], $0x800  }
0x9d: {  	[sflag:s11] =	ssyncset.done $0x0  }
0x9e: {  	[sflag:s11] =	ssyncadd.s32 $0xFFFFF800  }
0x9f: {  	_ =	swait.ge [sflag:s11], $0x800  }
0xa0: {  	[sflag:s11] =	ssyncset.done $0x0  }
0xa1: {  	s13 =	sadd.s32 $0x1900, s6;
	[sflag:s11] =	ssyncadd.s32 $0xFFFFF800  }
0xa2: {  	[hbm4b:s6+s2] =	stream.linear.scatter [tilespmem:s9], [sflag:$0x2], $0xC800, $0x38;
	[tilespmem:$0x12C00] =	vst v63  }
0xa3: {  	s14 =	simm.s32 $0xC80;
	s17 =	simm.s32 $0x6400;
	_ =	swait.ge [sflag:s7], $0xC800  }
.LBB2_2:
0xa4: {  	[sflag:s7] =	ssyncset.done $0x0  }
0xa5: {  	[sflag:s7] =	ssyncadd.s32 $0xFFFF3800  }
0xa6: {  	[tilespmem:s9], [sflag:$0x1] =	stream.indirect.gather [hbm4b:s1+s8], $0x10, s14, s8, $0xb8;
	[tilespmem:$0x12C00] =	vst v63  }
0xa7: {  	s18 =	rddreg [dreg:$0x3];
	s19 =	sadd.s32 $0x80, s14  }
0xa8: {  	[tilespmem:s18], [sflag:$0x1] =	stream.indirect.gather [hbm4b:s1+s8], $0x10, s19, s8, $0xb8;
	[tilespmem:$0x12C00] =	vst v63  }
0xa9: {  	s21 =	sadd.s32 $0x100, s14;
	s22 =	rddreg [dreg:$0x4]  }
0xaa: {  	[tilespmem:s22], [sflag:$0x1] =	stream.indirect.gather [hbm4b:s1+s8], $0x10, s21, s8, $0xb8;
	[tilespmem:$0x12C00] =	vst v63  }
0xab: {  	s20 =	rddreg [dreg:$0x5];
	s30 =	sadd.s32 $0x180, s14  }
0xac: {  	[tilespmem:s20], [sflag:$0x1] =	stream.indirect.gather [hbm4b:s1+s8], $0x10, s30, s8, $0xb8;
	[tilespmem:$0x12C00] =	vst v63  }
0xad: {  	s23 =	rddreg [dreg:$0x6];
	s22 =	sadd.s32 $0x200, s14  }
0xae: {  	[tilespmem:s23], [sflag:$0x1] =	stream.indirect.gather [hbm4b:s1+s8], $0x10, s22, s8, $0xb8;
	[tilespmem:$0x12C00] =	vst v63  }
0xaf: {  	s31 =	rddreg [dreg:$0x7];
	s24 =	sadd.s32 $0x280, s14  }
0xb0: {  	[tilespmem:s31], [sflag:$0x1] =	stream.indirect.gather [hbm4b:s1+s8], $0x10, s24, s8, $0xb8;
	[tilespmem:$0x12C00] =	vst v63  }
0xb1: {  	s25 =	rddreg [dreg:$0x8];
	s26 =	sadd.s32 $0x300, s14  }
0xb2: {  	[tilespmem:s25], [sflag:$0x1] =	stream.indirect.gather [hbm4b:s1+s8], $0x10, s26, s8, $0xb8;
	[tilespmem:$0x12C00] =	vst v63  }
0xb3: {  	s28 =	sadd.s32 $0x380, s14;
	s29 =	rddreg [dreg:$0x9]  }
0xb4: {  	[tilespmem:s29], [sflag:$0x1] =	stream.indirect.gather [hbm4b:s1+s8], $0x10, s28, s8, $0xb8;
	[tilespmem:$0x12C00] =	vst v63  }
0xb5: {  	s30 =	sadd.s32 $0x400, s14;
	s31 =	rddreg [dreg:$0xa]  }
0xb6: {  	[tilespmem:s31], [sflag:$0x1] =	stream.indirect.gather [hbm4b:s1+s8], $0x10, s30, s8, $0xb8;
	[tilespmem:$0x12C00] =	vst v63  }
0xb7: {  	s18 =	sadd.s32 $0x480, s14;
	s22 =	rddreg [dreg:$0xb]  }
0xb8: {  	[tilespmem:s22], [sflag:$0x1] =	stream.indirect.gather [hbm4b:s1+s8], $0x10, s18, s8, $0xb8;
	[tilespmem:$0x12C00] =	vst v63  }
0xb9: {  	s21 =	rddreg [dreg:$0xc];
	s23 =	sadd.s32 $0x500, s14  }
0xba: {  	[tilespmem:s21], [sflag:$0x1] =	stream.indirect.gather [hbm4b:s1+s8], $0x10, s23, s8, $0xb8;
	[tilespmem:$0x12C00] =	vst v63  }
0xbb: {  	s25 =	sadd.s32 $0x580, s14;
	s26 =	rddreg [dreg:$0xd]  }
0xbc: {  	[tilespmem:s26], [sflag:$0x1] =	stream.indirect.gather [hbm4b:s1+s8], $0x10, s25, s8, $0xb8;
	[tilespmem:$0x12C00] =	vst v63  }
0xbd: {  	s24 =	rddreg [dreg:$0xe];
	s28 =	sadd.s32 $0x600, s14  }
0xbe: {  	[tilespmem:s24], [sflag:$0x1] =	stream.indirect.gather [hbm4b:s1+s8], $0x10, s28, s8, $0xb8;
	[tilespmem:$0x12C00] =	vst v63  }
0xbf: {  	s29 =	rddreg [dreg:$0xf];
	s30 =	sadd.s32 $0x680, s14  }
0xc0: {  	[tilespmem:s29], [sflag:$0x1] =	stream.indirect.gather [hbm4b:s1+s8], $0x10, s30, s8, $0xb8;
	[tilespmem:$0x12C00] =	vst v63  }
0xc1: {  	s20 =	sadd.s32 $0x700, s14;
	s22 =	rddreg [dreg:$0x10]  }
0xc2: {  	[tilespmem:s22], [sflag:$0x1] =	stream.indirect.gather [hbm4b:s1+s8], $0x10, s20, s8, $0xb8;
	[tilespmem:$0x12C00] =	vst v63  }
0xc3: {  	s31 =	rddreg [dreg:$0x11];
	s23 =	sadd.s32 $0x780, s14  }
0xc4: {  	[tilespmem:s31], [sflag:$0x1] =	stream.indirect.gather [hbm4b:s1+s8], $0x10, s23, s8, $0xb8;
	[tilespmem:$0x12C00] =	vst v63  }
0xc5: {  	s25 =	sadd.s32 $0x800, s14;
	s26 =	rddreg [dreg:$0x12]  }
0xc6: {  	[tilespmem:s26], [sflag:$0x1] =	stream.indirect.gather [hbm4b:s1+s8], $0x10, s25, s8, $0xb8;
	[tilespmem:$0x12C00] =	vst v63  }
0xc7: {  	s28 =	sadd.s32 $0x880, s14;
	s29 =	rddreg [dreg:$0x13]  }
0xc8: {  	[tilespmem:s29], [sflag:$0x1] =	stream.indirect.gather [hbm4b:s1+s8], $0x10, s28, s8, $0xb8;
	[tilespmem:$0x12C00] =	vst v63  }
0xc9: {  	s24 =	rddreg [dreg:$0x14];
	s30 =	sadd.s32 $0x900, s14  }
0xca: {  	[tilespmem:s24], [sflag:$0x1] =	stream.indirect.gather [hbm4b:s1+s8], $0x10, s30, s8, $0xb8;
	[tilespmem:$0x12C00] =	vst v63  }
0xcb: {  	s18 =	sadd.s32 $0x980, s14;
	s31 =	rddreg [dreg:$0x15]  }
0xcc: {  	[tilespmem:s31], [sflag:$0x1] =	stream.indirect.gather [hbm4b:s1+s8], $0x10, s18, s8, $0xb8;
	[tilespmem:$0x12C00] =	vst v63  }
0xcd: {  	s22 =	rddreg [dreg:$0x16];
	s23 =	sadd.s32 $0xA00, s14  }
0xce: {  	[tilespmem:s22], [sflag:$0x1] =	stream.indirect.gather [hbm4b:s1+s8], $0x10, s23, s8, $0xb8;
	[tilespmem:$0x12C00] =	vst v63  }
0xcf: {  	s25 =	sadd.s32 $0xA80, s14;
	s24 =	rddreg [dreg:$0x17]  }
0xd0: {  	[tilespmem:s24], [sflag:$0x1] =	stream.indirect.gather [hbm4b:s1+s8], $0x10, s25, s8, $0xb8;
	[tilespmem:$0x12C00] =	vst v63  }
0xd1: {  	s26 =	rddreg [dreg:$0x18];
	s28 =	sadd.s32 $0xB00, s14  }
0xd2: {  	[tilespmem:s26], [sflag:$0x1] =	stream.indirect.gather [hbm4b:s1+s8], $0x10, s28, s8, $0xb8;
	[tilespmem:$0x12C00] =	vst v63  }
0xd3: {  	s29 =	rddreg [dreg:$0x19];
	s30 =	sadd.s32 $0xB80, s14  }
0xd4: {  	[tilespmem:s29], [sflag:$0x1] =	stream.indirect.gather [hbm4b:s1+s8], $0x10, s30, s8, $0xb8;
	[tilespmem:$0x12C00] =	vst v63  }
0xd5: {  	s31 =	sadd.s32 $0xC00, s14  }
0xd6: {  	[tilespmem:s10], [sflag:$0x1] =	stream.indirect.gather [hbm4b:s1+s8], $0x10, s31, s8, $0xb8;
	[tilespmem:$0x12C00] =	vst v63  }
0xd7: {  	_ =	swait.ge [sflag:s11], $0x800  }
0xd8: {  	[sflag:s11] =	ssyncset.done $0x0  }
0xd9: {  	[sflag:s11] =	ssyncadd.s32 $0xFFFFF800  }
0xda: {  	_ =	swait.ge [sflag:s11], $0x800  }
0xdb: {  	[sflag:s11] =	ssyncset.done $0x0  }
0xdc: {  	[sflag:s11] =	ssyncadd.s32 $0xFFFFF800  }
0xdd: {  	_ =	swait.ge [sflag:s11], $0x800  }
0xde: {  	[sflag:s11] =	ssyncset.done $0x0  }
0xdf: {  	[sflag:s11] =	ssyncadd.s32 $0xFFFFF800  }
0xe0: {  	_ =	swait.ge [sflag:s11], $0x800  }
0xe1: {  	[sflag:s11] =	ssyncset.done $0x0  }
0xe2: {  	[sflag:s11] =	ssyncadd.s32 $0xFFFFF800  }
0xe3: {  	_ =	swait.ge [sflag:s11], $0x800  }
0xe4: {  	[sflag:s11] =	ssyncset.done $0x0  }
0xe5: {  	[sflag:s11] =	ssyncadd.s32 $0xFFFFF800  }
0xe6: {  	_ =	swait.ge [sflag:s11], $0x800  }
0xe7: {  	[sflag:s11] =	ssyncset.done $0x0  }
0xe8: {  	[sflag:s11] =	ssyncadd.s32 $0xFFFFF800  }
0xe9: {  	_ =	swait.ge [sflag:s11], $0x800  }
0xea: {  	[sflag:s11] =	ssyncset.done $0x0  }
0xeb: {  	[sflag:s11] =	ssyncadd.s32 $0xFFFFF800  }
0xec: {  	_ =	swait.ge [sflag:s11], $0x800  }
0xed: {  	[sflag:s11] =	ssyncset.done $0x0  }
0xee: {  	[sflag:s11] =	ssyncadd.s32 $0xFFFFF800  }
0xef: {  	_ =	swait.ge [sflag:s11], $0x800  }
0xf0: {  	[sflag:s11] =	ssyncset.done $0x0  }
0xf1: {  	[sflag:s11] =	ssyncadd.s32 $0xFFFFF800  }
0xf2: {  	_ =	swait.ge [sflag:s11], $0x800  }
0xf3: {  	[sflag:s11] =	ssyncset.done $0x0  }
0xf4: {  	[sflag:s11] =	ssyncadd.s32 $0xFFFFF800  }
0xf5: {  	_ =	swait.ge [sflag:s11], $0x800  }
0xf6: {  	[sflag:s11] =	ssyncset.done $0x0  }
0xf7: {  	[sflag:s11] =	ssyncadd.s32 $0xFFFFF800  }
0xf8: {  	_ =	swait.ge [sflag:s11], $0x800  }
0xf9: {  	[sflag:s11] =	ssyncset.done $0x0  }
0xfa: {  	[sflag:s11] =	ssyncadd.s32 $0xFFFFF800  }
0xfb: {  	_ =	swait.ge [sflag:s11], $0x800  }
0xfc: {  	[sflag:s11] =	ssyncset.done $0x0  }
0xfd: {  	[sflag:s11] =	ssyncadd.s32 $0xFFFFF800  }
0xfe: {  	_ =	swait.ge [sflag:s11], $0x800  }
0xff: {  	[sflag:s11] =	ssyncset.done $0x0  }
0x100: {  	[sflag:s11] =	ssyncadd.s32 $0xFFFFF800  }
0x101: {  	_ =	swait.ge [sflag:s11], $0x800  }
0x102: {  	[sflag:s11] =	ssyncset.done $0x0  }
0x103: {  	[sflag:s11] =	ssyncadd.s32 $0xFFFFF800  }
0x104: {  	_ =	swait.ge [sflag:s11], $0x800  }
0x105: {  	[sflag:s11] =	ssyncset.done $0x0  }
0x106: {  	[sflag:s11] =	ssyncadd.s32 $0xFFFFF800  }
0x107: {  	_ =	swait.ge [sflag:s11], $0x800  }
0x108: {  	[sflag:s11] =	ssyncset.done $0x0  }
0x109: {  	[sflag:s11] =	ssyncadd.s32 $0xFFFFF800  }
0x10a: {  	_ =	swait.ge [sflag:s11], $0x800  }
0x10b: {  	[sflag:s11] =	ssyncset.done $0x0  }
0x10c: {  	[sflag:s11] =	ssyncadd.s32 $0xFFFFF800  }
0x10d: {  	_ =	swait.ge [sflag:s11], $0x800  }
0x10e: {  	[sflag:s11] =	ssyncset.done $0x0  }
0x10f: {  	[sflag:s11] =	ssyncadd.s32 $0xFFFFF800  }
0x110: {  	_ =	swait.ge [sflag:s11], $0x800  }
0x111: {  	[sflag:s11] =	ssyncset.done $0x0  }
0x112: {  	[sflag:s11] =	ssyncadd.s32 $0xFFFFF800  }
0x113: {  	_ =	swait.ge [sflag:s11], $0x800  }
0x114: {  	[sflag:s11] =	ssyncset.done $0x0  }
0x115: {  	[sflag:s11] =	ssyncadd.s32 $0xFFFFF800  }
0x116: {  	_ =	swait.ge [sflag:s11], $0x800  }
0x117: {  	[sflag:s11] =	ssyncset.done $0x0  }
0x118: {  	[sflag:s11] =	ssyncadd.s32 $0xFFFFF800  }
0x119: {  	_ =	swait.ge [sflag:s11], $0x800  }
0x11a: {  	[sflag:s11] =	ssyncset.done $0x0  }
0x11b: {  	[sflag:s11] =	ssyncadd.s32 $0xFFFFF800  }
0x11c: {  	_ =	swait.ge [sflag:s11], $0x800  }
0x11d: {  	[sflag:s11] =	ssyncset.done $0x0  }
0x11e: {  	p0 =	sne.s32 s17, $0x15E00;
	[sflag:s11] =	ssyncadd.s32 $0xFFFFF800  }
.Ltmp0:
0x11f: {  	s15 =	smov.u32 s17;
	_ =	swait.ge [sflag:s11], $0x800;
	(pc) =	sbr.rel @p0 .LBB2_2-.Ltmp0, $4  }
0x120: {  	s15 =	sadd.s32 $0x3200, s17;
	[sflag:s11] =	ssyncset.done $0x0  }
0x121: {  	s16 =	sshra.s32 s17, $0x2;
	s17 =	smov.u32 s15;
	[sflag:s11] =	ssyncadd.s32 $0xFFFFF800  }
0x122: {  	[hbm4b:s13+s2] =	stream.linear.scatter [tilespmem:s9], [sflag:$0x2], $0xC800, $0x38;
	[tilespmem:$0x12C00] =	vst v63  }
0x123: {  	s14 =	smov.u32 s16;
	s13 =	sadd.s32 $0x1900, s13;
	_ =	swait.ge [sflag:s7], $0xC800  }
0x124: {  	[sflag:s7] =	ssyncset.done $0x0  }
0x125: {  	[sflag:s7] =	ssyncadd.s32 $0xFFFF3800  }
0x126: {  	[tilespmem:s9], [sflag:$0x1] =	stream.indirect.gather [hbm4b:s1+s8], $0x10, s14, s8, $0xb8;
	[tilespmem:$0x12C00] =	vst v63  }
0x127: {  	s15 =	rddreg [dreg:$0x3];
	s16 =	sadd.s32 $0x80, s14  }
0x128: {  	[tilespmem:s15], [sflag:$0x1] =	stream.indirect.gather [hbm4b:s1+s8], $0x10, s16, s8, $0xb8;
	[tilespmem:$0x12C00] =	vst v63  }
0x129: {  	s17 =	rddreg [dreg:$0x4];
	s28 =	sadd.s32 $0x100, s14  }
0x12a: {  	[tilespmem:s17], [sflag:$0x1] =	stream.indirect.gather [hbm4b:s1+s8], $0x10, s28, s8, $0xb8;
	[tilespmem:$0x12C00] =	vst v63  }
0x12b: {  	s26 =	rddreg [dreg:$0x5];
	s29 =	sadd.s32 $0x180, s14  }
0x12c: {  	[tilespmem:s26], [sflag:$0x1] =	stream.indirect.gather [hbm4b:s1+s8], $0x10, s29, s8, $0xb8;
	[tilespmem:$0x12C00] =	vst v63  }
0x12d: {  	s30 =	rddreg [dreg:$0x6];
	s18 =	sadd.s32 $0x200, s14  }
0x12e: {  	[tilespmem:s30], [sflag:$0x1] =	stream.indirect.gather [hbm4b:s1+s8], $0x10, s18, s8, $0xb8;
	[tilespmem:$0x12C00] =	vst v63  }
0x12f: {  	s31 =	rddreg [dreg:$0x7];
	s19 =	sadd.s32 $0x280, s14  }
0x130: {  	[tilespmem:s31], [sflag:$0x1] =	stream.indirect.gather [hbm4b:s1+s8], $0x10, s19, s8, $0xb8;
	[tilespmem:$0x12C00] =	vst v63  }
0x131: {  	s20 =	rddreg [dreg:$0x8];
	s21 =	sadd.s32 $0x300, s14  }
0x132: {  	[tilespmem:s20], [sflag:$0x1] =	stream.indirect.gather [hbm4b:s1+s8], $0x10, s21, s8, $0xb8;
	[tilespmem:$0x12C00] =	vst v63  }
0x133: {  	s22 =	rddreg [dreg:$0x9];
	s23 =	sadd.s32 $0x380, s14  }
0x134: {  	[tilespmem:s22], [sflag:$0x1] =	stream.indirect.gather [hbm4b:s1+s8], $0x10, s23, s8, $0xb8;
	[tilespmem:$0x12C00] =	vst v63  }
0x135: {  	s24 =	rddreg [dreg:$0xa];
	s25 =	sadd.s32 $0x400, s14  }
0x136: {  	[tilespmem:s24], [sflag:$0x1] =	stream.indirect.gather [hbm4b:s1+s8], $0x10, s25, s8, $0xb8;
	[tilespmem:$0x12C00] =	vst v63  }
0x137: {  	s26 =	rddreg [dreg:$0xb];
	s29 =	sadd.s32 $0x480, s14  }
0x138: {  	[tilespmem:s26], [sflag:$0x1] =	stream.indirect.gather [hbm4b:s1+s8], $0x10, s29, s8, $0xb8;
	[tilespmem:$0x12C00] =	vst v63  }
0x139: {  	s28 =	rddreg [dreg:$0xc];
	s30 =	sadd.s32 $0x500, s14  }
0x13a: {  	[tilespmem:s28], [sflag:$0x1] =	stream.indirect.gather [hbm4b:s1+s8], $0x10, s30, s8, $0xb8;
	[tilespmem:$0x12C00] =	vst v63  }
0x13b: {  	s31 =	rddreg [dreg:$0xd];
	s19 =	sadd.s32 $0x580, s14  }
0x13c: {  	[tilespmem:s31], [sflag:$0x1] =	stream.indirect.gather [hbm4b:s1+s8], $0x10, s19, s8, $0xb8;
	[tilespmem:$0x12C00] =	vst v63  }
0x13d: {  	s18 =	rddreg [dreg:$0xe];
	s20 =	sadd.s32 $0x600, s14  }
0x13e: {  	[tilespmem:s18], [sflag:$0x1] =	stream.indirect.gather [hbm4b:s1+s8], $0x10, s20, s8, $0xb8;
	[tilespmem:$0x12C00] =	vst v63  }
0x13f: {  	s21 =	rddreg [dreg:$0xf];
	s22 =	sadd.s32 $0x680, s14  }
0x140: {  	[tilespmem:s21], [sflag:$0x1] =	stream.indirect.gather [hbm4b:s1+s8], $0x10, s22, s8, $0xb8;
	[tilespmem:$0x12C00] =	vst v63  }
0x141: {  	s23 =	rddreg [dreg:$0x10];
	s25 =	sadd.s32 $0x700, s14  }
0x142: {  	[tilespmem:s23], [sflag:$0x1] =	stream.indirect.gather [hbm4b:s1+s8], $0x10, s25, s8, $0xb8;
	[tilespmem:$0x12C00] =	vst v63  }
0x143: {  	s24 =	rddreg [dreg:$0x11];
	s26 =	sadd.s32 $0x780, s14  }
0x144: {  	[tilespmem:s24], [sflag:$0x1] =	stream.indirect.gather [hbm4b:s1+s8], $0x10, s26, s8, $0xb8;
	[tilespmem:$0x12C00] =	vst v63  }
0x145: {  	s29 =	sadd.s32 $0x800, s14;
	s28 =	rddreg [dreg:$0x12]  }
0x146: {  	[tilespmem:s28], [sflag:$0x1] =	stream.indirect.gather [hbm4b:s1+s8], $0x10, s29, s8, $0xb8;
	[tilespmem:$0x12C00] =	vst v63  }
0x147: {  	s30 =	rddreg [dreg:$0x13];
	s18 =	sadd.s32 $0x880, s14  }
0x148: {  	[tilespmem:s30], [sflag:$0x1] =	stream.indirect.gather [hbm4b:s1+s8], $0x10, s18, s8, $0xb8;
	[tilespmem:$0x12C00] =	vst v63  }
0x149: {  	s31 =	rddreg [dreg:$0x14];
	s19 =	sadd.s32 $0x900, s14  }
0x14a: {  	[tilespmem:s31], [sflag:$0x1] =	stream.indirect.gather [hbm4b:s1+s8], $0x10, s19, s8, $0xb8;
	[tilespmem:$0x12C00] =	vst v63  }
0x14b: {  	s20 =	rddreg [dreg:$0x15];
	s21 =	sadd.s32 $0x980, s14  }
0x14c: {  	[tilespmem:s20], [sflag:$0x1] =	stream.indirect.gather [hbm4b:s1+s8], $0x10, s21, s8, $0xb8;
	[tilespmem:$0x12C00] =	vst v63  }
0x14d: {  	s22 =	rddreg [dreg:$0x16];
	s23 =	sadd.s32 $0xA00, s14  }
0x14e: {  	[tilespmem:s22], [sflag:$0x1] =	stream.indirect.gather [hbm4b:s1+s8], $0x10, s23, s8, $0xb8;
	[tilespmem:$0x12C00] =	vst v63  }
0x14f: {  	s25 =	sadd.s32 $0xA80, s14;
	s24 =	rddreg [dreg:$0x17]  }
0x150: {  	[tilespmem:s24], [sflag:$0x1] =	stream.indirect.gather [hbm4b:s1+s8], $0x10, s25, s8, $0xb8;
	[tilespmem:$0x12C00] =	vst v63  }
0x151: {  	s26 =	rddreg [dreg:$0x18];
	s28 =	sadd.s32 $0xB00, s14  }
0x152: {  	[tilespmem:s26], [sflag:$0x1] =	stream.indirect.gather [hbm4b:s1+s8], $0x10, s28, s8, $0xb8;
	[tilespmem:$0x12C00] =	vst v63  }
0x153: {  	s29 =	rddreg [dreg:$0x19];
	s30 =	sadd.s32 $0xB80, s14  }
0x154: {  	[tilespmem:s29], [sflag:$0x1] =	stream.indirect.gather [hbm4b:s1+s8], $0x10, s30, s8, $0xb8;
	[tilespmem:$0x12C00] =	vst v63  }
0x155: {  	s31 =	sadd.s32 $0xC00, s14  }
0x156: {  	[tilespmem:s10], [sflag:$0x1] =	stream.indirect.gather [hbm4b:s1+s8], $0x10, s31, s8, $0xb8;
	[tilespmem:$0x12C00] =	vst v63  }
0x157: {  	_ =	swait.ge [sflag:s11], $0x800  }
0x158: {  	[sflag:s11] =	ssyncset.done $0x0  }
0x159: {  	[sflag:s11] =	ssyncadd.s32 $0xFFFFF800  }
0x15a: {  	_ =	swait.ge [sflag:s11], $0x800  }
0x15b: {  	[sflag:s11] =	ssyncset.done $0x0  }
0x15c: {  	[sflag:s11] =	ssyncadd.s32 $0xFFFFF800  }
0x15d: {  	_ =	swait.ge [sflag:s11], $0x800  }
0x15e: {  	[sflag:s11] =	ssyncset.done $0x0  }
0x15f: {  	[sflag:s11] =	ssyncadd.s32 $0xFFFFF800  }
0x160: {  	_ =	swait.ge [sflag:s11], $0x800  }
0x161: {  	[sflag:s11] =	ssyncset.done $0x0  }
0x162: {  	[sflag:s11] =	ssyncadd.s32 $0xFFFFF800  }
0x163: {  	_ =	swait.ge [sflag:s11], $0x800  }
0x164: {  	[sflag:s11] =	ssyncset.done $0x0  }
0x165: {  	[sflag:s11] =	ssyncadd.s32 $0xFFFFF800  }
0x166: {  	_ =	swait.ge [sflag:s11], $0x800  }
0x167: {  	[sflag:s11] =	ssyncset.done $0x0  }
0x168: {  	[sflag:s11] =	ssyncadd.s32 $0xFFFFF800  }
0x169: {  	_ =	swait.ge [sflag:s11], $0x800  }
0x16a: {  	[sflag:s11] =	ssyncset.done $0x0  }
0x16b: {  	[sflag:s11] =	ssyncadd.s32 $0xFFFFF800  }
0x16c: {  	_ =	swait.ge [sflag:s11], $0x800  }
0x16d: {  	[sflag:s11] =	ssyncset.done $0x0  }
0x16e: {  	[sflag:s11] =	ssyncadd.s32 $0xFFFFF800  }
0x16f: {  	_ =	swait.ge [sflag:s11], $0x800  }
0x170: {  	[sflag:s11] =	ssyncset.done $0x0  }
0x171: {  	[sflag:s11] =	ssyncadd.s32 $0xFFFFF800  }
0x172: {  	_ =	swait.ge [sflag:s11], $0x800  }
0x173: {  	[sflag:s11] =	ssyncset.done $0x0  }
0x174: {  	[sflag:s11] =	ssyncadd.s32 $0xFFFFF800  }
0x175: {  	_ =	swait.ge [sflag:s11], $0x800  }
0x176: {  	[sflag:s11] =	ssyncset.done $0x0  }
0x177: {  	[sflag:s11] =	ssyncadd.s32 $0xFFFFF800  }
0x178: {  	_ =	swait.ge [sflag:s11], $0x800  }
0x179: {  	[sflag:s11] =	ssyncset.done $0x0  }
0x17a: {  	[sflag:s11] =	ssyncadd.s32 $0xFFFFF800  }
0x17b: {  	_ =	swait.ge [sflag:s11], $0x800  }
0x17c: {  	[sflag:s11] =	ssyncset.done $0x0  }
0x17d: {  	[sflag:s11] =	ssyncadd.s32 $0xFFFFF800  }
0x17e: {  	_ =	swait.ge [sflag:s11], $0x800  }
0x17f: {  	[sflag:s11] =	ssyncset.done $0x0  }
0x180: {  	[sflag:s11] =	ssyncadd.s32 $0xFFFFF800  }
0x181: {  	_ =	swait.ge [sflag:s11], $0x800  }
0x182: {  	[sflag:s11] =	ssyncset.done $0x0  }
0x183: {  	[sflag:s11] =	ssyncadd.s32 $0xFFFFF800  }
0x184: {  	_ =	swait.ge [sflag:s11], $0x800  }
0x185: {  	[sflag:s11] =	ssyncset.done $0x0  }
0x186: {  	[sflag:s11] =	ssyncadd.s32 $0xFFFFF800  }
0x187: {  	_ =	swait.ge [sflag:s11], $0x800  }
0x188: {  	[sflag:s11] =	ssyncset.done $0x0  }
0x189: {  	[sflag:s11] =	ssyncadd.s32 $0xFFFFF800  }
0x18a: {  	_ =	swait.ge [sflag:s11], $0x800  }
0x18b: {  	[sflag:s11] =	ssyncset.done $0x0  }
0x18c: {  	[sflag:s11] =	ssyncadd.s32 $0xFFFFF800  }
0x18d: {  	_ =	swait.ge [sflag:s11], $0x800  }
0x18e: {  	[sflag:s11] =	ssyncset.done $0x0  }
0x18f: {  	[sflag:s11] =	ssyncadd.s32 $0xFFFFF800  }
0x190: {  	_ =	swait.ge [sflag:s11], $0x800  }
0x191: {  	[sflag:s11] =	ssyncset.done $0x0  }
0x192: {  	[sflag:s11] =	ssyncadd.s32 $0xFFFFF800  }
0x193: {  	_ =	swait.ge [sflag:s11], $0x800  }
0x194: {  	[sflag:s11] =	ssyncset.done $0x0  }
0x195: {  	[sflag:s11] =	ssyncadd.s32 $0xFFFFF800  }
0x196: {  	_ =	swait.ge [sflag:s11], $0x800  }
0x197: {  	[sflag:s11] =	ssyncset.done $0x0  }
0x198: {  	[sflag:s11] =	ssyncadd.s32 $0xFFFFF800  }
0x199: {  	_ =	swait.ge [sflag:s11], $0x800  }
0x19a: {  	[sflag:s11] =	ssyncset.done $0x0  }
0x19b: {  	[sflag:s11] =	ssyncadd.s32 $0xFFFFF800  }
0x19c: {  	_ =	swait.ge [sflag:s11], $0x800  }
0x19d: {  	[sflag:s11] =	ssyncset.done $0x0  }
0x19e: {  	[sflag:s11] =	ssyncadd.s32 $0xFFFFF800  }
0x19f: {  	s12 =	sadd.s32 $0x1, s12;
	_ =	swait.ge [sflag:s11], $0x800  }
0x1a0: {  	p0 =	sne.s32 s12, s5;
	[sflag:s11] =	ssyncset.done $0x0  }
.Ltmp1:
0x1a1: {  	[sflag:s11] =	ssyncadd.s32 $0xFFFFF800;
	(pc) =	sbr.rel @p0 .LBB2_1-.Ltmp1, $4  }
0x1a2: {  	[hbm4b:s13+s2] =	stream.linear.scatter [tilespmem:s9], [sflag:$0x2], $0xC800, $0x38;
	[tilespmem:$0x12C00] =	vst v63  }
0x1a3: {  	_ =	swait.ge [sflag:s7], $0xC800  }
0x1a4: {  	[sflag:s7] =	ssyncset.done $0x0  }
0x1a5: {  	[sflag:s7] =	ssyncadd.s32 $0xFFFF3800  }
0x1a6: {  	_ =	sfence.sel $0x180000  }
0x1a7: {  	[bflag:$0x0] =	sbarrier.arrive $0xFFFF  }
0x1a8: {  	p0 =	sne.s32 s3, $0x0;
	_ =	strace $0x90000047  }
0x1a9: {  	s0 =	sadd.s32 @!p0 $0x100000, s0;
	[bflag:$0x2] =	sbarrier.arrive $0xFFFF  }
0x1aa: {  	[sflag:s0] =	ssyncadd.tile.s32 @!p0 $0x1;
	_ =	shalt  }
.Lfunc_end2:
_tile_overlayer_lowered:
.L_overlay_start_2:
0x1ab: {  	(tag) =	ssettag $0x2  }
0x1ac: {  	s0 =	rddreg [dreg:$0x0];
	s2 =	stileid.u32  }
0x1ad: {  	s1 =	rddreg [dreg:$0x1];
	p0 =	sne.s32 s2, $0x0  }
0x1ae: {  	s3 =	rddreg [dreg:$0x2];
	[bflag:$0x3] =	sbarrier.arrive $0xFFFF;
	s2 =	simm.s32 @!p0 $0x1C02  }
0x1af: {  	[timem:s3], [sflag:s2] =	dma.local @!p0 [hbm:s0], s1  }
0x1b0: {  	s0 =	simm.s32 @!p0 $0x2  }
0x1b1: {  	_ =	swait.ge @!p0 [sflag:s0], s1  }
0x1b2: {  	s1 =	ssub.s32 @!p0 $0x0, s1;
	[sflag:s0] =	ssyncset.done @!p0 $0x0  }
0x1b3: {  	[sflag:s0] =	ssyncadd.s32 @!p0 s1  }
0x1b4: {  	[bflag:$0x3] =	sbarrier.arrive $0xFFFF  }
0x1b5: {  	_ =	shalt  }

</sc_bundles>
